<compile_context>
chip_gen: v7x
topology: tpu7x:2x2x1
jax: 0.10.2.dev20260603
libtpu: 0.0.44.dev20260713+nightly
codegen_flags: <defaults>
</compile_context>

<pallas_src>
import functools

import jax
import jax.numpy as jnp
import numpy as np
from jax import lax
from jax.experimental import pallas as pl
from jax.experimental.pallas import tpu as pltpu
from jax.experimental.pallas import tpu_sc as plsc

NC = 2
NS = 16
NW = NC * NS
L = 16

WSZ = 24
D = 2 * WSZ - 1
ROWW = D * WSZ
ROWP = 1152
STRIP = 2 * WSZ * WSZ * WSZ
NBUF = 4


def _perm_const() -> np.ndarray:
    perm = np.zeros((WSZ, ROWP), np.int32)
    for ci in range(WSZ):
        for c in range(ROWW):
            e, cj = divmod(c, WSZ)
            if e <= WSZ - 1:
                perm[ci, c] = ((WSZ - 1 - e) * WSZ + ci) * WSZ + cj
            else:
                perm[ci, c] = WSZ**3 + ci * WSZ * WSZ + (e - WSZ + 1) * WSZ + cj
    return perm.reshape(-1)


_PERM = _perm_const()


def _gather_w(tabflat, strip, perm, H, Kpad):
    mesh = plsc.VectorSubcoreMesh(core_axis_name="c", subcore_axis_name="s")

    @functools.partial(
        pl.kernel,
        mesh=mesh,
        compiler_params=pltpu.CompilerParams(
            needs_layout_passes=False, use_tc_tiling_on_sc=False),
        out_type=jax.ShapeDtypeStruct((H, WSZ, ROWP), jnp.float32),
        scratch_types=[
            pltpu.VMEM((Kpad,), jnp.float32),
            pltpu.VMEM((STRIP,), jnp.int32),
            pltpu.VMEM((WSZ * ROWP,), jnp.int32),
            pltpu.VMEM((WSZ, ROWP), jnp.float32),
            pltpu.SemaphoreType.DMA,
        ],
    )
    def run(tab_hbm, strip_hbm, perm_hbm, w_hbm, tab_v, strip_v, perm_v, w_v,
            sem):
        wid = lax.axis_index("s") * NC + lax.axis_index("c")
        h = wid
        copies = [
            pltpu.async_copy(tab_hbm.at[pl.ds(h * Kpad, Kpad)], tab_v, sem),
            pltpu.async_copy(strip_hbm, strip_v, sem),
            pltpu.async_copy(perm_hbm, perm_v, sem),
        ]
        for c in copies:
            c.wait()

        def ci_body(ci, _):
            base = ci * ROWP

            @plsc.parallel_loop(0, ROWP // L, unroll=8)
            def v_body(v):
                o = v * L
                pv = perm_v[pl.ds(base + o, L)]
                widx = plsc.load_gather(strip_v, [pv])
                w_v[ci, pl.ds(o, L)] = plsc.load_gather(tab_v, [widx])

            return 0

        lax.fori_loop(0, WSZ, ci_body, 0)
        pltpu.sync_copy(w_v, w_hbm.at[h])

    return run(tabflat, strip, perm)


def _expand(w_all, H, N):
    def body(w_ref, out_ref, bufs, sems):
        h = pl.program_id(0)
        b = lax.rem(h, NBUF)
        w = w_ref[0]

        @pl.when(h >= NBUF)
        def _():
            pltpu.make_async_copy(
                bufs.at[b], out_ref.at[h - NBUF], sems.at[b]).wait()

        for ri in range(WSZ):
            s = (WSZ - 1 - ri) * WSZ
            bufs[b, ri * WSZ:(ri + 1) * WSZ, :] = w[:, s:s + N]
        pltpu.async_copy(bufs.at[b], out_ref.at[h], sems.at[b])

        @pl.when(h == H - 1)
        def _():
            for k in range(H - NBUF, H):
                kb = k % NBUF
                pltpu.make_async_copy(
                    bufs.at[kb], out_ref.at[k], sems.at[kb]).wait()

    return pl.pallas_call(
        body,
        grid=(H,),
        in_specs=[pl.BlockSpec((1, WSZ, ROWP), lambda h: (h, 0, 0))],
        out_specs=pl.BlockSpec(memory_space=pl.ANY),
        out_shape=jax.ShapeDtypeStruct((H, N, N), jnp.float32),
        scratch_shapes=[
            pltpu.VMEM((NBUF, N, N), jnp.float32),
            pltpu.SemaphoreType.DMA((NBUF,)),
        ],
        compiler_params=pltpu.CompilerParams(
            dimension_semantics=("arbitrary",)),
    )(w_all)


def kernel(table, index):
    K, H = table.shape
    N = index.shape[0]
    Kpad = ((K + 15) // 16) * 16
    tabflat = jnp.pad(jnp.transpose(table), ((0, 0), (0, Kpad - K))).reshape(-1)
    strip = jnp.concatenate(
        [index[:, :WSZ].reshape(-1), index[:WSZ, :].reshape(-1)])
    perm = jnp.asarray(_PERM)

    w_all = _gather_w(tabflat, strip, perm, H, Kpad)
    return _expand(w_all, H, N)

# --- scband reference (transcript-rebuilt; emitter-appended) ---
"""Pipeline reference for scband-relative-position-bias-12876311953823 (READ-ONLY COPY).

The authoritative reference and input builder live on the scoring server;
editing this copy changes nothing except your own understanding.
"""

import jax, jax.numpy as jnp
import numpy as np

WS = 24
NUM_HEADS = 32

def _make_index():
    coords = np.stack(np.meshgrid(np.arange(WS), np.arange(WS), indexing='ij'))
    flat = coords.reshape(2, -1)
    rel = flat[:, :, None] - flat[:, None, :]
    rel = rel.transpose(1, 2, 0).copy()
    rel[:, :, 0] += WS - 1
    rel[:, :, 1] += WS - 1
    rel[:, :, 0] *= 2 * WS - 1
    return rel.sum(-1)

def setup_inputs(seed: int = 0) -> dict:
    key = jax.random.key(seed)
    num_rows = (2 * WS - 1) * (2 * WS - 1)
    table = jax.random.normal(key, (num_rows, NUM_HEADS), dtype=jnp.float32) * 0.02
    index = jnp.asarray(_make_index(), dtype=jnp.int32)
    return {"table": table, "index": index}

def reference(table, index):
    N = index.shape[0]
    bias = jnp.take(table, index.reshape(-1), axis=0).reshape(N, N, NUM_HEADS)
    return jnp.transpose(bias, (2, 0, 1))

if __name__ == "__main__":
    import jax
    _d = setup_inputs()
    print(jax.jit(kernel)(*tuple(_d.values())))

</pallas_src>

<mosaic_0001>
#map = affine_map<(d0, d1) -> (0)>
#map1 = affine_map<(d0, d1) -> (0, 0, 0)>
module attributes {stable_mosaic.version = 14 : i64} {
  func.func @run(%arg0: i32, %arg1: i32, %arg2: memref<71168xf32, #tpu.memory_space<hbm>>, %arg3: memref<27648xi32, #tpu.memory_space<hbm>>, %arg4: memref<27648xi32, #tpu.memory_space<hbm>>, %arg5: memref<32x24x1152xf32, #tpu.memory_space<hbm>>, %arg6: memref<2224xf32, #tpu.memory_space<vmem>>, %arg7: memref<27648xi32, #tpu.memory_space<vmem>>, %arg8: memref<27648xi32, #tpu.memory_space<vmem>>, %arg9: memref<24x1152xf32, #tpu.memory_space<vmem>>, %arg10: memref<!tpu.dma_semaphore, #tpu.memory_space<semaphore_mem>>) attributes {dimension_semantics = [#tpu.dimension_semantics<core_parallel>, #tpu.dimension_semantics<subcore_parallel>], iteration_bounds = array<i64: 2, 16>, scalar_prefetch = 0 : i64, scratch_operands = 5 : i64, tpu.core_type = #tpu.core_type<sc_vector_subcore>, window_params = [{transform_indices = #map}, {transform_indices = #map}, {transform_indices = #map}, {transform_indices = #map1}]} {
    %mul3A = arith.constant 2 : i32
    %mul3A_0 = arith.muli %arg1, %mul3A : i32
    %add3A = arith.addi %mul3A_0, %arg0 : i32
    %mul3A_1 = arith.constant 2224 : i32
    %mul3A_2 = arith.muli %add3A, %mul3A_1 : i32
    %dma_start3A = tpu.memref_slice %arg2[%mul3A_2] : memref<71168xf32, #tpu.memory_space<hbm>> -> memref<2224xf32, #tpu.memory_space<hbm>>
    %dma_start3A_3 = tpu.memref_slice %arg2[%mul3A_2] : memref<71168xf32, #tpu.memory_space<hbm>> -> memref<2224xf32, #tpu.memory_space<hbm>>
    tpu.enqueue_dma source(%dma_start3A_3 : memref<2224xf32, #tpu.memory_space<hbm>>) target(%arg6 : memref<2224xf32, #tpu.memory_space<vmem>>) target_semaphore(%arg10 : memref<!tpu.dma_semaphore, #tpu.memory_space<semaphore_mem>>)
    tpu.enqueue_dma source(%arg3 : memref<27648xi32, #tpu.memory_space<hbm>>) target(%arg7 : memref<27648xi32, #tpu.memory_space<vmem>>) target_semaphore(%arg10 : memref<!tpu.dma_semaphore, #tpu.memory_space<semaphore_mem>>)
    tpu.enqueue_dma source(%arg4 : memref<27648xi32, #tpu.memory_space<hbm>>) target(%arg8 : memref<27648xi32, #tpu.memory_space<vmem>>) target_semaphore(%arg10 : memref<!tpu.dma_semaphore, #tpu.memory_space<semaphore_mem>>)
    %dma_wait3A = tpu.memref_slice %arg2[%mul3A_2] : memref<71168xf32, #tpu.memory_space<hbm>> -> memref<2224xf32, #tpu.memory_space<hbm>>
    %dma_wait3A_4 = tpu.memref_slice %arg2[%mul3A_2] : memref<71168xf32, #tpu.memory_space<hbm>> -> memref<2224xf32, #tpu.memory_space<hbm>>
    tpu.wait_dma2 semaphore(%arg10 : memref<!tpu.dma_semaphore, #tpu.memory_space<semaphore_mem>>) src(%dma_wait3A_4 : memref<2224xf32, #tpu.memory_space<hbm>>) dst(%arg6 : memref<2224xf32, #tpu.memory_space<vmem>>)
    tpu.wait_dma2 semaphore(%arg10 : memref<!tpu.dma_semaphore, #tpu.memory_space<semaphore_mem>>) src(%arg3 : memref<27648xi32, #tpu.memory_space<hbm>>) dst(%arg7 : memref<27648xi32, #tpu.memory_space<vmem>>)
    tpu.wait_dma2 semaphore(%arg10 : memref<!tpu.dma_semaphore, #tpu.memory_space<semaphore_mem>>) src(%arg4 : memref<27648xi32, #tpu.memory_space<hbm>>) dst(%arg8 : memref<27648xi32, #tpu.memory_space<vmem>>)
    %scan3A = arith.constant 0 : i32
    %scan3A_5 = arith.constant 0 : i32
    %scan3A_6 = arith.constant 24 : i32
    %scan3A_7 = arith.addi %scan3A_5, %scan3A_6 : i32
    %scan3A_8 = arith.constant 1 : i32
    %scan3A_9 = scf.for %scan3A_11 = %scan3A_5 to %scan3A_7 step %scan3A_8 iter_args(%scan3A_12 = %scan3A) -> (i32)  : i32 {
      %mul3A_13 = arith.constant 1152 : i32
      %mul3A_14 = arith.muli %scan3A_11, %mul3A_13 : i32
      %parallel_loop3A = arith.constant 0 : i32
      %parallel_loop3A_15 = arith.constant 72 : i32
      %parallel_loop3A_16 = arith.constant 1 : i32
      scf.for %parallel_loop3A_18 = %parallel_loop3A to %parallel_loop3A_15 step %parallel_loop3A_16  : i32 {
        %parallel_loop3A_19 = arith.constant 16 : i32
        %parallel_loop3A_20 = arith.muli %parallel_loop3A_18, %parallel_loop3A_19 : i32
        %parallel_loop3A_21 = arith.addi %mul3A_14, %parallel_loop3A_20 : i32
        %parallel_loop3A_22 = arith.index_cast %parallel_loop3A_21 : i32 to index
        %parallel_loop3A_23 = tpu.vector_load %arg8[%parallel_loop3A_22] {strides = array<i32>} : memref<27648xi32, #tpu.memory_space<vmem>>, vector<16xi32>,
        %parallel_loop3A_24 = tpu.vector_load_idx %arg7[%parallel_loop3A_23] : memref<27648xi32, #tpu.memory_space<vmem>>[vector<16xi32>], vector<16xi32>,
        %parallel_loop3A_25 = tpu.vector_load_idx %arg6[%parallel_loop3A_24] : memref<2224xf32, #tpu.memory_space<vmem>>[vector<16xi32>], vector<16xf32>,
        %parallel_loop3A_26 = arith.index_cast %scan3A_11 : i32 to index
        %parallel_loop3A_27 = arith.index_cast %parallel_loop3A_20 : i32 to index
        %parallel_loop3A_28 = tpu.vector_load %arg9[%parallel_loop3A_26, %parallel_loop3A_27] {strides = array<i32>} : memref<24x1152xf32, #tpu.memory_space<vmem>>, vector<16xf32>,
        tpu.vector_store %arg9[%parallel_loop3A_26, %parallel_loop3A_27], %parallel_loop3A_25 {strides = array<i32>} : memref<24x1152xf32, #tpu.memory_space<vmem>>, vector<16xf32>,
      } {sc.loop_unroll_factor = 8 : i64, sc.parallel_access}
      %scan3A_17 = arith.constant 0 : i32
      scf.yield %scan3A_17 : i32
    }
    %scan3A_10 = arith.constant 24 : i32
    "tpu.region"() ({
      %run_scoped3A = tpu.sem_alloc : memref<!tpu.dma_semaphore, #tpu.memory_space<semaphore_mem>>
      %dma_start3A_11 = arith.constant 0 : i32
      %dma_start3A_12 = arith.constant 0 : i32
      %dma_start3A_13 = tpu.memref_slice %arg5[%add3A, %dma_start3A_11, %dma_start3A_12] : memref<32x24x1152xf32, #tpu.memory_space<hbm>> -> memref<1x24x1152xf32, #tpu.memory_space<hbm>>
      %dma_start3A_14 = tpu.memref_squeeze %dma_start3A_13 : memref<1x24x1152xf32, #tpu.memory_space<hbm>> -> memref<24x1152xf32, #tpu.memory_space<hbm>>
      %dma_start3A_15 = arith.constant 0 : i32
      %dma_start3A_16 = arith.constant 0 : i32
      %dma_start3A_17 = tpu.memref_slice %arg5[%add3A, %dma_start3A_15, %dma_start3A_16] : memref<32x24x1152xf32, #tpu.memory_space<hbm>> -> memref<1x24x1152xf32, #tpu.memory_space<hbm>>
      %dma_start3A_18 = tpu.memref_squeeze %dma_start3A_17 : memref<1x24x1152xf32, #tpu.memory_space<hbm>> -> memref<24x1152xf32, #tpu.memory_space<hbm>>
      tpu.enqueue_dma source(%arg9 : memref<24x1152xf32, #tpu.memory_space<vmem>>) target(%dma_start3A_18 : memref<24x1152xf32, #tpu.memory_space<hbm>>) target_semaphore(%run_scoped3A : memref<!tpu.dma_semaphore, #tpu.memory_space<semaphore_mem>>)
      %dma_wait3A_19 = arith.constant 0 : i32
      %dma_wait3A_20 = arith.constant 0 : i32
      %dma_wait3A_21 = tpu.memref_slice %arg5[%add3A, %dma_wait3A_19, %dma_wait3A_20] : memref<32x24x1152xf32, #tpu.memory_space<hbm>> -> memref<1x24x1152xf32, #tpu.memory_space<hbm>>
      %dma_wait3A_22 = tpu.memref_squeeze %dma_wait3A_21 : memref<1x24x1152xf32, #tpu.memory_space<hbm>> -> memref<24x1152xf32, #tpu.memory_space<hbm>>
      %dma_wait3A_23 = arith.constant 0 : i32
      %dma_wait3A_24 = arith.constant 0 : i32
      %dma_wait3A_25 = tpu.memref_slice %arg5[%add3A, %dma_wait3A_23, %dma_wait3A_24] : memref<32x24x1152xf32, #tpu.memory_space<hbm>> -> memref<1x24x1152xf32, #tpu.memory_space<hbm>>
      %dma_wait3A_26 = tpu.memref_squeeze %dma_wait3A_25 : memref<1x24x1152xf32, #tpu.memory_space<hbm>> -> memref<24x1152xf32, #tpu.memory_space<hbm>>
      tpu.wait_dma2 semaphore(%run_scoped3A : memref<!tpu.dma_semaphore, #tpu.memory_space<semaphore_mem>>) src(%arg9 : memref<24x1152xf32, #tpu.memory_space<vmem>>) dst(%dma_wait3A_26 : memref<24x1152xf32, #tpu.memory_space<hbm>>)
      tpu.yield
    }) : () -> ()
    return
  }
}

module attributes {stable_mosaic.version = 14 : i64} {
  func.func @body(%arg0: i32, %arg1: memref<1x24x1152xf32, #tpu.memory_space<vmem>>, %arg2: memref<32x576x576xf32, #tpu.memory_space<any>>, %arg3: memref<4x576x576xf32, #tpu.memory_space<vmem>>, %arg4: memref<4x!tpu.dma_semaphore, #tpu.memory_space<semaphore_mem>>) attributes {dimension_semantics = [#tpu.dimension_semantics<arbitrary>], iteration_bounds = array<i64: 32>, scalar_prefetch = 0 : i64, scratch_operands = 2 : i64, tpu.core_type = #tpu.core_type<tc>, window_params = [{transform_indices = @transform_0, window_bounds = array<i64: 1, 24, 1152>}, {}]} {
    %rem3A = arith.constant 4 : i32
    %rem3A_0 = arith.remsi %arg0, %rem3A : i32
    %get3A = arith.constant 0 : index
    %get3A_1 = arith.constant 0 : index
    %get3A_2 = arith.constant 0 : index
    %get3A_3 = vector.load %arg1[%get3A, %get3A_1, %get3A_2] : memref<1x24x1152xf32, #tpu.memory_space<vmem>>, vector<1x24x1152xf32>
    %get3A_4 = vector.shape_cast %get3A_3 : vector<1x24x1152xf32> to vector<24x1152xf32>
    %ge3A = arith.constant 4 : i32
    %ge3A_5 = arith.cmpi sge, %arg0, %ge3A : i32
    %convert_element_type3A = arith.extui %ge3A_5 : i1 to i32
    %cond3A = arith.constant 0 : i32
    %cond3A_6 = arith.cmpi ne, %convert_element_type3A, %cond3A : i32
    scf.if %cond3A_6 {
      %sub3A = arith.constant 4 : i32
      %sub3A_186 = arith.subi %arg0, %sub3A : i32
      %dma_wait3A = tpu.memref_slice %arg4[%rem3A_0] : memref<4x!tpu.dma_semaphore, #tpu.memory_space<semaphore_mem>> -> memref<1x!tpu.dma_semaphore, #tpu.memory_space<semaphore_mem>>
      %dma_wait3A_187 = tpu.memref_squeeze %dma_wait3A : memref<1x!tpu.dma_semaphore, #tpu.memory_space<semaphore_mem>> -> memref<!tpu.dma_semaphore, #tpu.memory_space<semaphore_mem>>
      %dma_wait3A_188 = arith.constant 0 : i32
      %dma_wait3A_189 = arith.constant 0 : i32
      %dma_wait3A_190 = tpu.memref_slice %arg2[%sub3A_186, %dma_wait3A_188, %dma_wait3A_189] : memref<32x576x576xf32, #tpu.memory_space<any>> -> memref<1x576x576xf32, #tpu.memory_space<any>>
      %dma_wait3A_191 = tpu.memref_squeeze %dma_wait3A_190 : memref<1x576x576xf32, #tpu.memory_space<any>> -> memref<576x576xf32, #tpu.memory_space<any>>
      %dma_wait3A_192 = arith.constant 0 : i32
      %dma_wait3A_193 = arith.constant 0 : i32
      %dma_wait3A_194 = tpu.memref_slice %arg3[%rem3A_0, %dma_wait3A_192, %dma_wait3A_193] : memref<4x576x576xf32, #tpu.memory_space<vmem>> -> memref<1x576x576xf32, #tpu.memory_space<vmem>>
      %dma_wait3A_195 = tpu.memref_squeeze %dma_wait3A_194 : memref<1x576x576xf32, #tpu.memory_space<vmem>> -> memref<576x576xf32, #tpu.memory_space<vmem>>
      tpu.wait_dma2 semaphore(%dma_wait3A_187 : memref<!tpu.dma_semaphore, #tpu.memory_space<semaphore_mem>>) src(%dma_wait3A_195 : memref<576x576xf32, #tpu.memory_space<vmem>>) dst(%dma_wait3A_191 : memref<576x576xf32, #tpu.memory_space<any>>)
    } else {
    }
    %slice3A = vector.extract_strided_slice %get3A_4 {offsets = [0, 552], sizes = [24, 576], strides = [1, 1]} : vector<24x1152xf32> to vector<24x576xf32>
    %swap3A = arith.index_cast %rem3A_0 : i32 to index
    %swap3A_7 = arith.constant 0 : index
    %swap3A_8 = arith.constant 0 : index
    %swap3A_9 = vector.load %arg3[%swap3A, %swap3A_7, %swap3A_8] : memref<4x576x576xf32, #tpu.memory_space<vmem>>, vector<1x24x576xf32>
    %swap3A_10 = vector.shape_cast %swap3A_9 : vector<1x24x576xf32> to vector<24x576xf32>
    %swap3A_11 = vector.shape_cast %slice3A : vector<24x576xf32> to vector<1x24x576xf32>
    tpu.vector_store %arg3[%swap3A, %swap3A_7, %swap3A_8], %swap3A_11 {strides = array<i32>} : memref<4x576x576xf32, #tpu.memory_space<vmem>>, vector<1x24x576xf32>,
    %slice3A_12 = vector.extract_strided_slice %get3A_4 {offsets = [0, 528], sizes = [24, 576], strides = [1, 1]} : vector<24x1152xf32> to vector<24x576xf32>
    %swap3A_13 = arith.index_cast %rem3A_0 : i32 to index
    %swap3A_14 = arith.constant 24 : index
    %swap3A_15 = arith.constant 0 : index
    %swap3A_16 = vector.load %arg3[%swap3A_13, %swap3A_14, %swap3A_15] : memref<4x576x576xf32, #tpu.memory_space<vmem>>, vector<1x24x576xf32>
    %swap3A_17 = vector.shape_cast %swap3A_16 : vector<1x24x576xf32> to vector<24x576xf32>
    %swap3A_18 = vector.shape_cast %slice3A_12 : vector<24x576xf32> to vector<1x24x576xf32>
    tpu.vector_store %arg3[%swap3A_13, %swap3A_14, %swap3A_15], %swap3A_18 {strides = array<i32>} : memref<4x576x576xf32, #tpu.memory_space<vmem>>, vector<1x24x576xf32>,
    %slice3A_19 = vector.extract_strided_slice %get3A_4 {offsets = [0, 504], sizes = [24, 576], strides = [1, 1]} : vector<24x1152xf32> to vector<24x576xf32>
    %swap3A_20 = arith.index_cast %rem3A_0 : i32 to index
    %swap3A_21 = arith.constant 48 : index
    %swap3A_22 = arith.constant 0 : index
    %swap3A_23 = vector.load %arg3[%swap3A_20, %swap3A_21, %swap3A_22] : memref<4x576x576xf32, #tpu.memory_space<vmem>>, vector<1x24x576xf32>
    %swap3A_24 = vector.shape_cast %swap3A_23 : vector<1x24x576xf32> to vector<24x576xf32>
    %swap3A_25 = vector.shape_cast %slice3A_19 : vector<24x576xf32> to vector<1x24x576xf32>
    tpu.vector_store %arg3[%swap3A_20, %swap3A_21, %swap3A_22], %swap3A_25 {strides = array<i32>} : memref<4x576x576xf32, #tpu.memory_space<vmem>>, vector<1x24x576xf32>,
    %slice3A_26 = vector.extract_strided_slice %get3A_4 {offsets = [0, 480], sizes = [24, 576], strides = [1, 1]} : vector<24x1152xf32> to vector<24x576xf32>
    %swap3A_27 = arith.index_cast %rem3A_0 : i32 to index
    %swap3A_28 = arith.constant 72 : index
    %swap3A_29 = arith.constant 0 : index
    %swap3A_30 = vector.load %arg3[%swap3A_27, %swap3A_28, %swap3A_29] : memref<4x576x576xf32, #tpu.memory_space<vmem>>, vector<1x24x576xf32>
    %swap3A_31 = vector.shape_cast %swap3A_30 : vector<1x24x576xf32> to vector<24x576xf32>
    %swap3A_32 = vector.shape_cast %slice3A_26 : vector<24x576xf32> to vector<1x24x576xf32>
    tpu.vector_store %arg3[%swap3A_27, %swap3A_28, %swap3A_29], %swap3A_32 {strides = array<i32>} : memref<4x576x576xf32, #tpu.memory_space<vmem>>, vector<1x24x576xf32>,
    %slice3A_33 = vector.extract_strided_slice %get3A_4 {offsets = [0, 456], sizes = [24, 576], strides = [1, 1]} : vector<24x1152xf32> to vector<24x576xf32>
    %swap3A_34 = arith.index_cast %rem3A_0 : i32 to index
    %swap3A_35 = arith.constant 96 : index
    %swap3A_36 = arith.constant 0 : index
    %swap3A_37 = vector.load %arg3[%swap3A_34, %swap3A_35, %swap3A_36] : memref<4x576x576xf32, #tpu.memory_space<vmem>>, vector<1x24x576xf32>
    %swap3A_38 = vector.shape_cast %swap3A_37 : vector<1x24x576xf32> to vector<24x576xf32>
    %swap3A_39 = vector.shape_cast %slice3A_33 : vector<24x576xf32> to vector<1x24x576xf32>
    tpu.vector_store %arg3[%swap3A_34, %swap3A_35, %swap3A_36], %swap3A_39 {strides = array<i32>} : memref<4x576x576xf32, #tpu.memory_space<vmem>>, vector<1x24x576xf32>,
    %slice3A_40 = vector.extract_strided_slice %get3A_4 {offsets = [0, 432], sizes = [24, 576], strides = [1, 1]} : vector<24x1152xf32> to vector<24x576xf32>
    %swap3A_41 = arith.index_cast %rem3A_0 : i32 to index
    %swap3A_42 = arith.constant 120 : index
    %swap3A_43 = arith.constant 0 : index
    %swap3A_44 = vector.load %arg3[%swap3A_41, %swap3A_42, %swap3A_43] : memref<4x576x576xf32, #tpu.memory_space<vmem>>, vector<1x24x576xf32>
    %swap3A_45 = vector.shape_cast %swap3A_44 : vector<1x24x576xf32> to vector<24x576xf32>
    %swap3A_46 = vector.shape_cast %slice3A_40 : vector<24x576xf32> to vector<1x24x576xf32>
    tpu.vector_store %arg3[%swap3A_41, %swap3A_42, %swap3A_43], %swap3A_46 {strides = array<i32>} : memref<4x576x576xf32, #tpu.memory_space<vmem>>, vector<1x24x576xf32>,
    %slice3A_47 = vector.extract_strided_slice %get3A_4 {offsets = [0, 408], sizes = [24, 576], strides = [1, 1]} : vector<24x1152xf32> to vector<24x576xf32>
    %swap3A_48 = arith.index_cast %rem3A_0 : i32 to index
    %swap3A_49 = arith.constant 144 : index
    %swap3A_50 = arith.constant 0 : index
    %swap3A_51 = vector.load %arg3[%swap3A_48, %swap3A_49, %swap3A_50] : memref<4x576x576xf32, #tpu.memory_space<vmem>>, vector<1x24x576xf32>
    %swap3A_52 = vector.shape_cast %swap3A_51 : vector<1x24x576xf32> to vector<24x576xf32>
    %swap3A_53 = vector.shape_cast %slice3A_47 : vector<24x576xf32> to vector<1x24x576xf32>
    tpu.vector_store %arg3[%swap3A_48, %swap3A_49, %swap3A_50], %swap3A_53 {strides = array<i32>} : memref<4x576x576xf32, #tpu.memory_space<vmem>>, vector<1x24x576xf32>,
    %slice3A_54 = vector.extract_strided_slice %get3A_4 {offsets = [0, 384], sizes = [24, 576], strides = [1, 1]} : vector<24x1152xf32> to vector<24x576xf32>
    %swap3A_55 = arith.index_cast %rem3A_0 : i32 to index
    %swap3A_56 = arith.constant 168 : index
    %swap3A_57 = arith.constant 0 : index
    %swap3A_58 = vector.load %arg3[%swap3A_55, %swap3A_56, %swap3A_57] : memref<4x576x576xf32, #tpu.memory_space<vmem>>, vector<1x24x576xf32>
    %swap3A_59 = vector.shape_cast %swap3A_58 : vector<1x24x576xf32> to vector<24x576xf32>
    %swap3A_60 = vector.shape_cast %slice3A_54 : vector<24x576xf32> to vector<1x24x576xf32>
    tpu.vector_store %arg3[%swap3A_55, %swap3A_56, %swap3A_57], %swap3A_60 {strides = array<i32>} : memref<4x576x576xf32, #tpu.memory_space<vmem>>, vector<1x24x576xf32>,
    %slice3A_61 = vector.extract_strided_slice %get3A_4 {offsets = [0, 360], sizes = [24, 576], strides = [1, 1]} : vector<24x1152xf32> to vector<24x576xf32>
    %swap3A_62 = arith.index_cast %rem3A_0 : i32 to index
    %swap3A_63 = arith.constant 192 : index
    %swap3A_64 = arith.constant 0 : index
    %swap3A_65 = vector.load %arg3[%swap3A_62, %swap3A_63, %swap3A_64] : memref<4x576x576xf32, #tpu.memory_space<vmem>>, vector<1x24x576xf32>
    %swap3A_66 = vector.shape_cast %swap3A_65 : vector<1x24x576xf32> to vector<24x576xf32>
    %swap3A_67 = vector.shape_cast %slice3A_61 : vector<24x576xf32> to vector<1x24x576xf32>
    tpu.vector_store %arg3[%swap3A_62, %swap3A_63, %swap3A_64], %swap3A_67 {strides = array<i32>} : memref<4x576x576xf32, #tpu.memory_space<vmem>>, vector<1x24x576xf32>,
    %slice3A_68 = vector.extract_strided_slice %get3A_4 {offsets = [0, 336], sizes = [24, 576], strides = [1, 1]} : vector<24x1152xf32> to vector<24x576xf32>
    %swap3A_69 = arith.index_cast %rem3A_0 : i32 to index
    %swap3A_70 = arith.constant 216 : index
    %swap3A_71 = arith.constant 0 : index
    %swap3A_72 = vector.load %arg3[%swap3A_69, %swap3A_70, %swap3A_71] : memref<4x576x576xf32, #tpu.memory_space<vmem>>, vector<1x24x576xf32>
    %swap3A_73 = vector.shape_cast %swap3A_72 : vector<1x24x576xf32> to vector<24x576xf32>
    %swap3A_74 = vector.shape_cast %slice3A_68 : vector<24x576xf32> to vector<1x24x576xf32>
    tpu.vector_store %arg3[%swap3A_69, %swap3A_70, %swap3A_71], %swap3A_74 {strides = array<i32>} : memref<4x576x576xf32, #tpu.memory_space<vmem>>, vector<1x24x576xf32>,
    %slice3A_75 = vector.extract_strided_slice %get3A_4 {offsets = [0, 312], sizes = [24, 576], strides = [1, 1]} : vector<24x1152xf32> to vector<24x576xf32>
    %swap3A_76 = arith.index_cast %rem3A_0 : i32 to index
    %swap3A_77 = arith.constant 240 : index
    %swap3A_78 = arith.constant 0 : index
    %swap3A_79 = vector.load %arg3[%swap3A_76, %swap3A_77, %swap3A_78] : memref<4x576x576xf32, #tpu.memory_space<vmem>>, vector<1x24x576xf32>
    %swap3A_80 = vector.shape_cast %swap3A_79 : vector<1x24x576xf32> to vector<24x576xf32>
    %swap3A_81 = vector.shape_cast %slice3A_75 : vector<24x576xf32> to vector<1x24x576xf32>
    tpu.vector_store %arg3[%swap3A_76, %swap3A_77, %swap3A_78], %swap3A_81 {strides = array<i32>} : memref<4x576x576xf32, #tpu.memory_space<vmem>>, vector<1x24x576xf32>,
    %slice3A_82 = vector.extract_strided_slice %get3A_4 {offsets = [0, 288], sizes = [24, 576], strides = [1, 1]} : vector<24x1152xf32> to vector<24x576xf32>
    %swap3A_83 = arith.index_cast %rem3A_0 : i32 to index
    %swap3A_84 = arith.constant 264 : index
    %swap3A_85 = arith.constant 0 : index
    %swap3A_86 = vector.load %arg3[%swap3A_83, %swap3A_84, %swap3A_85] : memref<4x576x576xf32, #tpu.memory_space<vmem>>, vector<1x24x576xf32>
    %swap3A_87 = vector.shape_cast %swap3A_86 : vector<1x24x576xf32> to vector<24x576xf32>
    %swap3A_88 = vector.shape_cast %slice3A_82 : vector<24x576xf32> to vector<1x24x576xf32>
    tpu.vector_store %arg3[%swap3A_83, %swap3A_84, %swap3A_85], %swap3A_88 {strides = array<i32>} : memref<4x576x576xf32, #tpu.memory_space<vmem>>, vector<1x24x576xf32>,
    %slice3A_89 = vector.extract_strided_slice %get3A_4 {offsets = [0, 264], sizes = [24, 576], strides = [1, 1]} : vector<24x1152xf32> to vector<24x576xf32>
    %swap3A_90 = arith.index_cast %rem3A_0 : i32 to index
    %swap3A_91 = arith.constant 288 : index
    %swap3A_92 = arith.constant 0 : index
    %swap3A_93 = vector.load %arg3[%swap3A_90, %swap3A_91, %swap3A_92] : memref<4x576x576xf32, #tpu.memory_space<vmem>>, vector<1x24x576xf32>
    %swap3A_94 = vector.shape_cast %swap3A_93 : vector<1x24x576xf32> to vector<24x576xf32>
    %swap3A_95 = vector.shape_cast %slice3A_89 : vector<24x576xf32> to vector<1x24x576xf32>
    tpu.vector_store %arg3[%swap3A_90, %swap3A_91, %swap3A_92], %swap3A_95 {strides = array<i32>} : memref<4x576x576xf32, #tpu.memory_space<vmem>>, vector<1x24x576xf32>,
    %slice3A_96 = vector.extract_strided_slice %get3A_4 {offsets = [0, 240], sizes = [24, 576], strides = [1, 1]} : vector<24x1152xf32> to vector<24x576xf32>
    %swap3A_97 = arith.index_cast %rem3A_0 : i32 to index
    %swap3A_98 = arith.constant 312 : index
    %swap3A_99 = arith.constant 0 : index
    %swap3A_100 = vector.load %arg3[%swap3A_97, %swap3A_98, %swap3A_99] : memref<4x576x576xf32, #tpu.memory_space<vmem>>, vector<1x24x576xf32>
    %swap3A_101 = vector.shape_cast %swap3A_100 : vector<1x24x576xf32> to vector<24x576xf32>
    %swap3A_102 = vector.shape_cast %slice3A_96 : vector<24x576xf32> to vector<1x24x576xf32>
    tpu.vector_store %arg3[%swap3A_97, %swap3A_98, %swap3A_99], %swap3A_102 {strides = array<i32>} : memref<4x576x576xf32, #tpu.memory_space<vmem>>, vector<1x24x576xf32>,
    %slice3A_103 = vector.extract_strided_slice %get3A_4 {offsets = [0, 216], sizes = [24, 576], strides = [1, 1]} : vector<24x1152xf32> to vector<24x576xf32>
    %swap3A_104 = arith.index_cast %rem3A_0 : i32 to index
    %swap3A_105 = arith.constant 336 : index
    %swap3A_106 = arith.constant 0 : index
    %swap3A_107 = vector.load %arg3[%swap3A_104, %swap3A_105, %swap3A_106] : memref<4x576x576xf32, #tpu.memory_space<vmem>>, vector<1x24x576xf32>
    %swap3A_108 = vector.shape_cast %swap3A_107 : vector<1x24x576xf32> to vector<24x576xf32>
    %swap3A_109 = vector.shape_cast %slice3A_103 : vector<24x576xf32> to vector<1x24x576xf32>
    tpu.vector_store %arg3[%swap3A_104, %swap3A_105, %swap3A_106], %swap3A_109 {strides = array<i32>} : memref<4x576x576xf32, #tpu.memory_space<vmem>>, vector<1x24x576xf32>,
    %slice3A_110 = vector.extract_strided_slice %get3A_4 {offsets = [0, 192], sizes = [24, 576], strides = [1, 1]} : vector<24x1152xf32> to vector<24x576xf32>
    %swap3A_111 = arith.index_cast %rem3A_0 : i32 to index
    %swap3A_112 = arith.constant 360 : index
    %swap3A_113 = arith.constant 0 : index
    %swap3A_114 = vector.load %arg3[%swap3A_111, %swap3A_112, %swap3A_113] : memref<4x576x576xf32, #tpu.memory_space<vmem>>, vector<1x24x576xf32>
    %swap3A_115 = vector.shape_cast %swap3A_114 : vector<1x24x576xf32> to vector<24x576xf32>
    %swap3A_116 = vector.shape_cast %slice3A_110 : vector<24x576xf32> to vector<1x24x576xf32>
    tpu.vector_store %arg3[%swap3A_111, %swap3A_112, %swap3A_113], %swap3A_116 {strides = array<i32>} : memref<4x576x576xf32, #tpu.memory_space<vmem>>, vector<1x24x576xf32>,
    %slice3A_117 = vector.extract_strided_slice %get3A_4 {offsets = [0, 168], sizes = [24, 576], strides = [1, 1]} : vector<24x1152xf32> to vector<24x576xf32>
    %swap3A_118 = arith.index_cast %rem3A_0 : i32 to index
    %swap3A_119 = arith.constant 384 : index
    %swap3A_120 = arith.constant 0 : index
    %swap3A_121 = vector.load %arg3[%swap3A_118, %swap3A_119, %swap3A_120] : memref<4x576x576xf32, #tpu.memory_space<vmem>>, vector<1x24x576xf32>
    %swap3A_122 = vector.shape_cast %swap3A_121 : vector<1x24x576xf32> to vector<24x576xf32>
    %swap3A_123 = vector.shape_cast %slice3A_117 : vector<24x576xf32> to vector<1x24x576xf32>
    tpu.vector_store %arg3[%swap3A_118, %swap3A_119, %swap3A_120], %swap3A_123 {strides = array<i32>} : memref<4x576x576xf32, #tpu.memory_space<vmem>>, vector<1x24x576xf32>,
    %slice3A_124 = vector.extract_strided_slice %get3A_4 {offsets = [0, 144], sizes = [24, 576], strides = [1, 1]} : vector<24x1152xf32> to vector<24x576xf32>
    %swap3A_125 = arith.index_cast %rem3A_0 : i32 to index
    %swap3A_126 = arith.constant 408 : index
    %swap3A_127 = arith.constant 0 : index
    %swap3A_128 = vector.load %arg3[%swap3A_125, %swap3A_126, %swap3A_127] : memref<4x576x576xf32, #tpu.memory_space<vmem>>, vector<1x24x576xf32>
    %swap3A_129 = vector.shape_cast %swap3A_128 : vector<1x24x576xf32> to vector<24x576xf32>
    %swap3A_130 = vector.shape_cast %slice3A_124 : vector<24x576xf32> to vector<1x24x576xf32>
    tpu.vector_store %arg3[%swap3A_125, %swap3A_126, %swap3A_127], %swap3A_130 {strides = array<i32>} : memref<4x576x576xf32, #tpu.memory_space<vmem>>, vector<1x24x576xf32>,
    %slice3A_131 = vector.extract_strided_slice %get3A_4 {offsets = [0, 120], sizes = [24, 576], strides = [1, 1]} : vector<24x1152xf32> to vector<24x576xf32>
    %swap3A_132 = arith.index_cast %rem3A_0 : i32 to index
    %swap3A_133 = arith.constant 432 : index
    %swap3A_134 = arith.constant 0 : index
    %swap3A_135 = vector.load %arg3[%swap3A_132, %swap3A_133, %swap3A_134] : memref<4x576x576xf32, #tpu.memory_space<vmem>>, vector<1x24x576xf32>
    %swap3A_136 = vector.shape_cast %swap3A_135 : vector<1x24x576xf32> to vector<24x576xf32>
    %swap3A_137 = vector.shape_cast %slice3A_131 : vector<24x576xf32> to vector<1x24x576xf32>
    tpu.vector_store %arg3[%swap3A_132, %swap3A_133, %swap3A_134], %swap3A_137 {strides = array<i32>} : memref<4x576x576xf32, #tpu.memory_space<vmem>>, vector<1x24x576xf32>,
    %slice3A_138 = vector.extract_strided_slice %get3A_4 {offsets = [0, 96], sizes = [24, 576], strides = [1, 1]} : vector<24x1152xf32> to vector<24x576xf32>
    %swap3A_139 = arith.index_cast %rem3A_0 : i32 to index
    %swap3A_140 = arith.constant 456 : index
    %swap3A_141 = arith.constant 0 : index
    %swap3A_142 = vector.load %arg3[%swap3A_139, %swap3A_140, %swap3A_141] : memref<4x576x576xf32, #tpu.memory_space<vmem>>, vector<1x24x576xf32>
    %swap3A_143 = vector.shape_cast %swap3A_142 : vector<1x24x576xf32> to vector<24x576xf32>
    %swap3A_144 = vector.shape_cast %slice3A_138 : vector<24x576xf32> to vector<1x24x576xf32>
    tpu.vector_store %arg3[%swap3A_139, %swap3A_140, %swap3A_141], %swap3A_144 {strides = array<i32>} : memref<4x576x576xf32, #tpu.memory_space<vmem>>, vector<1x24x576xf32>,
    %slice3A_145 = vector.extract_strided_slice %get3A_4 {offsets = [0, 72], sizes = [24, 576], strides = [1, 1]} : vector<24x1152xf32> to vector<24x576xf32>
    %swap3A_146 = arith.index_cast %rem3A_0 : i32 to index
    %swap3A_147 = arith.constant 480 : index
    %swap3A_148 = arith.constant 0 : index
    %swap3A_149 = vector.load %arg3[%swap3A_146, %swap3A_147, %swap3A_148] : memref<4x576x576xf32, #tpu.memory_space<vmem>>, vector<1x24x576xf32>
    %swap3A_150 = vector.shape_cast %swap3A_149 : vector<1x24x576xf32> to vector<24x576xf32>
    %swap3A_151 = vector.shape_cast %slice3A_145 : vector<24x576xf32> to vector<1x24x576xf32>
    tpu.vector_store %arg3[%swap3A_146, %swap3A_147, %swap3A_148], %swap3A_151 {strides = array<i32>} : memref<4x576x576xf32, #tpu.memory_space<vmem>>, vector<1x24x576xf32>,
    %slice3A_152 = vector.extract_strided_slice %get3A_4 {offsets = [0, 48], sizes = [24, 576], strides = [1, 1]} : vector<24x1152xf32> to vector<24x576xf32>
    %swap3A_153 = arith.index_cast %rem3A_0 : i32 to index
    %swap3A_154 = arith.constant 504 : index
    %swap3A_155 = arith.constant 0 : index
    %swap3A_156 = vector.load %arg3[%swap3A_153, %swap3A_154, %swap3A_155] : memref<4x576x576xf32, #tpu.memory_space<vmem>>, vector<1x24x576xf32>
    %swap3A_157 = vector.shape_cast %swap3A_156 : vector<1x24x576xf32> to vector<24x576xf32>
    %swap3A_158 = vector.shape_cast %slice3A_152 : vector<24x576xf32> to vector<1x24x576xf32>
    tpu.vector_store %arg3[%swap3A_153, %swap3A_154, %swap3A_155], %swap3A_158 {strides = array<i32>} : memref<4x576x576xf32, #tpu.memory_space<vmem>>, vector<1x24x576xf32>,
    %slice3A_159 = vector.extract_strided_slice %get3A_4 {offsets = [0, 24], sizes = [24, 576], strides = [1, 1]} : vector<24x1152xf32> to vector<24x576xf32>
    %swap3A_160 = arith.index_cast %rem3A_0 : i32 to index
    %swap3A_161 = arith.constant 528 : index
    %swap3A_162 = arith.constant 0 : index
    %swap3A_163 = vector.load %arg3[%swap3A_160, %swap3A_161, %swap3A_162] : memref<4x576x576xf32, #tpu.memory_space<vmem>>, vector<1x24x576xf32>
    %swap3A_164 = vector.shape_cast %swap3A_163 : vector<1x24x576xf32> to vector<24x576xf32>
    %swap3A_165 = vector.shape_cast %slice3A_159 : vector<24x576xf32> to vector<1x24x576xf32>
    tpu.vector_store %arg3[%swap3A_160, %swap3A_161, %swap3A_162], %swap3A_165 {strides = array<i32>} : memref<4x576x576xf32, #tpu.memory_space<vmem>>, vector<1x24x576xf32>,
    %slice3A_166 = vector.extract_strided_slice %get3A_4 {offsets = [0, 0], sizes = [24, 576], strides = [1, 1]} : vector<24x1152xf32> to vector<24x576xf32>
    %swap3A_167 = arith.index_cast %rem3A_0 : i32 to index
    %swap3A_168 = arith.constant 552 : index
    %swap3A_169 = arith.constant 0 : index
    %swap3A_170 = vector.load %arg3[%swap3A_167, %swap3A_168, %swap3A_169] : memref<4x576x576xf32, #tpu.memory_space<vmem>>, vector<1x24x576xf32>
    %swap3A_171 = vector.shape_cast %swap3A_170 : vector<1x24x576xf32> to vector<24x576xf32>
    %swap3A_172 = vector.shape_cast %slice3A_166 : vector<24x576xf32> to vector<1x24x576xf32>
    tpu.vector_store %arg3[%swap3A_167, %swap3A_168, %swap3A_169], %swap3A_172 {strides = array<i32>} : memref<4x576x576xf32, #tpu.memory_space<vmem>>, vector<1x24x576xf32>,
    %dma_start3A = tpu.memref_slice %arg4[%rem3A_0] : memref<4x!tpu.dma_semaphore, #tpu.memory_space<semaphore_mem>> -> memref<1x!tpu.dma_semaphore, #tpu.memory_space<semaphore_mem>>
    %dma_start3A_173 = tpu.memref_squeeze %dma_start3A : memref<1x!tpu.dma_semaphore, #tpu.memory_space<semaphore_mem>> -> memref<!tpu.dma_semaphore, #tpu.memory_space<semaphore_mem>>
    %dma_start3A_174 = arith.constant 0 : i32
    %dma_start3A_175 = arith.constant 0 : i32
    %dma_start3A_176 = tpu.memref_slice %arg2[%arg0, %dma_start3A_174, %dma_start3A_175] : memref<32x576x576xf32, #tpu.memory_space<any>> -> memref<1x576x576xf32, #tpu.memory_space<any>>
    %dma_start3A_177 = tpu.memref_squeeze %dma_start3A_176 : memref<1x576x576xf32, #tpu.memory_space<any>> -> memref<576x576xf32, #tpu.memory_space<any>>
    %dma_start3A_178 = arith.constant 0 : i32
    %dma_start3A_179 = arith.constant 0 : i32
    %dma_start3A_180 = tpu.memref_slice %arg3[%rem3A_0, %dma_start3A_178, %dma_start3A_179] : memref<4x576x576xf32, #tpu.memory_space<vmem>> -> memref<1x576x576xf32, #tpu.memory_space<vmem>>
    %dma_start3A_181 = tpu.memref_squeeze %dma_start3A_180 : memref<1x576x576xf32, #tpu.memory_space<vmem>> -> memref<576x576xf32, #tpu.memory_space<vmem>>
    tpu.enqueue_dma source(%dma_start3A_181 : memref<576x576xf32, #tpu.memory_space<vmem>>) target(%dma_start3A_177 : memref<576x576xf32, #tpu.memory_space<any>>) target_semaphore(%dma_start3A_173 : memref<!tpu.dma_semaphore, #tpu.memory_space<semaphore_mem>>)
    %eq3A = arith.constant 31 : i32
    %eq3A_182 = arith.cmpi eq, %arg0, %eq3A : i32
    %convert_element_type3A_183 = arith.extui %eq3A_182 : i1 to i32
    %cond3A_184 = arith.constant 0 : i32
    %cond3A_185 = arith.cmpi ne, %convert_element_type3A_183, %cond3A_184 : i32
    scf.if %cond3A_185 {
      %dma_wait3A = arith.constant 0 : i32
      %dma_wait3A_186 = arith.constant 28 : i32
      %dma_wait3A_187 = arith.constant 0 : i32
      %dma_wait3A_188 = tpu.memref_slice %arg4[%dma_wait3A_187] : memref<4x!tpu.dma_semaphore, #tpu.memory_space<semaphore_mem>> -> memref<1x!tpu.dma_semaphore, #tpu.memory_space<semaphore_mem>>
      %dma_wait3A_189 = tpu.memref_squeeze %dma_wait3A_188 : memref<1x!tpu.dma_semaphore, #tpu.memory_space<semaphore_mem>> -> memref<!tpu.dma_semaphore, #tpu.memory_space<semaphore_mem>>
      %dma_wait3A_190 = arith.constant 0 : i32
      %dma_wait3A_191 = arith.constant 0 : i32
      %dma_wait3A_192 = tpu.memref_slice %arg2[%dma_wait3A_186, %dma_wait3A_190, %dma_wait3A_191] : memref<32x576x576xf32, #tpu.memory_space<any>> -> memref<1x576x576xf32, #tpu.memory_space<any>>
      %dma_wait3A_193 = tpu.memref_squeeze %dma_wait3A_192 : memref<1x576x576xf32, #tpu.memory_space<any>> -> memref<576x576xf32, #tpu.memory_space<any>>
      %dma_wait3A_194 = arith.constant 0 : i32
      %dma_wait3A_195 = arith.constant 0 : i32
      %dma_wait3A_196 = tpu.memref_slice %arg3[%dma_wait3A, %dma_wait3A_194, %dma_wait3A_195] : memref<4x576x576xf32, #tpu.memory_space<vmem>> -> memref<1x576x576xf32, #tpu.memory_space<vmem>>
      %dma_wait3A_197 = tpu.memref_squeeze %dma_wait3A_196 : memref<1x576x576xf32, #tpu.memory_space<vmem>> -> memref<576x576xf32, #tpu.memory_space<vmem>>
      tpu.wait_dma2 semaphore(%dma_wait3A_189 : memref<!tpu.dma_semaphore, #tpu.memory_space<semaphore_mem>>) src(%dma_wait3A_197 : memref<576x576xf32, #tpu.memory_space<vmem>>) dst(%dma_wait3A_193 : memref<576x576xf32, #tpu.memory_space<any>>)
      %dma_wait3A_198 = arith.constant 1 : i32
      %dma_wait3A_199 = arith.constant 29 : i32
      %dma_wait3A_200 = arith.constant 1 : i32
      %dma_wait3A_201 = tpu.memref_slice %arg4[%dma_wait3A_200] : memref<4x!tpu.dma_semaphore, #tpu.memory_space<semaphore_mem>> -> memref<1x!tpu.dma_semaphore, #tpu.memory_space<semaphore_mem>>
      %dma_wait3A_202 = tpu.memref_squeeze %dma_wait3A_201 : memref<1x!tpu.dma_semaphore, #tpu.memory_space<semaphore_mem>> -> memref<!tpu.dma_semaphore, #tpu.memory_space<semaphore_mem>>
      %dma_wait3A_203 = arith.constant 0 : i32
      %dma_wait3A_204 = arith.constant 0 : i32
      %dma_wait3A_205 = tpu.memref_slice %arg2[%dma_wait3A_199, %dma_wait3A_203, %dma_wait3A_204] : memref<32x576x576xf32, #tpu.memory_space<any>> -> memref<1x576x576xf32, #tpu.memory_space<any>>
      %dma_wait3A_206 = tpu.memref_squeeze %dma_wait3A_205 : memref<1x576x576xf32, #tpu.memory_space<any>> -> memref<576x576xf32, #tpu.memory_space<any>>
      %dma_wait3A_207 = arith.constant 0 : i32
      %dma_wait3A_208 = arith.constant 0 : i32
      %dma_wait3A_209 = tpu.memref_slice %arg3[%dma_wait3A_198, %dma_wait3A_207, %dma_wait3A_208] : memref<4x576x576xf32, #tpu.memory_space<vmem>> -> memref<1x576x576xf32, #tpu.memory_space<vmem>>
      %dma_wait3A_210 = tpu.memref_squeeze %dma_wait3A_209 : memref<1x576x576xf32, #tpu.memory_space<vmem>> -> memref<576x576xf32, #tpu.memory_space<vmem>>
      tpu.wait_dma2 semaphore(%dma_wait3A_202 : memref<!tpu.dma_semaphore, #tpu.memory_space<semaphore_mem>>) src(%dma_wait3A_210 : memref<576x576xf32, #tpu.memory_space<vmem>>) dst(%dma_wait3A_206 : memref<576x576xf32, #tpu.memory_space<any>>)
      %dma_wait3A_211 = arith.constant 2 : i32
      %dma_wait3A_212 = arith.constant 30 : i32
      %dma_wait3A_213 = arith.constant 2 : i32
      %dma_wait3A_214 = tpu.memref_slice %arg4[%dma_wait3A_213] : memref<4x!tpu.dma_semaphore, #tpu.memory_space<semaphore_mem>> -> memref<1x!tpu.dma_semaphore, #tpu.memory_space<semaphore_mem>>
      %dma_wait3A_215 = tpu.memref_squeeze %dma_wait3A_214 : memref<1x!tpu.dma_semaphore, #tpu.memory_space<semaphore_mem>> -> memref<!tpu.dma_semaphore, #tpu.memory_space<semaphore_mem>>
      %dma_wait3A_216 = arith.constant 0 : i32
      %dma_wait3A_217 = arith.constant 0 : i32
      %dma_wait3A_218 = tpu.memref_slice %arg2[%dma_wait3A_212, %dma_wait3A_216, %dma_wait3A_217] : memref<32x576x576xf32, #tpu.memory_space<any>> -> memref<1x576x576xf32, #tpu.memory_space<any>>
      %dma_wait3A_219 = tpu.memref_squeeze %dma_wait3A_218 : memref<1x576x576xf32, #tpu.memory_space<any>> -> memref<576x576xf32, #tpu.memory_space<any>>
      %dma_wait3A_220 = arith.constant 0 : i32
      %dma_wait3A_221 = arith.constant 0 : i32
      %dma_wait3A_222 = tpu.memref_slice %arg3[%dma_wait3A_211, %dma_wait3A_220, %dma_wait3A_221] : memref<4x576x576xf32, #tpu.memory_space<vmem>> -> memref<1x576x576xf32, #tpu.memory_space<vmem>>
      %dma_wait3A_223 = tpu.memref_squeeze %dma_wait3A_222 : memref<1x576x576xf32, #tpu.memory_space<vmem>> -> memref<576x576xf32, #tpu.memory_space<vmem>>
      tpu.wait_dma2 semaphore(%dma_wait3A_215 : memref<!tpu.dma_semaphore, #tpu.memory_space<semaphore_mem>>) src(%dma_wait3A_223 : memref<576x576xf32, #tpu.memory_space<vmem>>) dst(%dma_wait3A_219 : memref<576x576xf32, #tpu.memory_space<any>>)
      %dma_wait3A_224 = arith.constant 3 : i32
      %dma_wait3A_225 = arith.constant 31 : i32
      %dma_wait3A_226 = arith.constant 3 : i32
      %dma_wait3A_227 = tpu.memref_slice %arg4[%dma_wait3A_226] : memref<4x!tpu.dma_semaphore, #tpu.memory_space<semaphore_mem>> -> memref<1x!tpu.dma_semaphore, #tpu.memory_space<semaphore_mem>>
      %dma_wait3A_228 = tpu.memref_squeeze %dma_wait3A_227 : memref<1x!tpu.dma_semaphore, #tpu.memory_space<semaphore_mem>> -> memref<!tpu.dma_semaphore, #tpu.memory_space<semaphore_mem>>
      %dma_wait3A_229 = arith.constant 0 : i32
      %dma_wait3A_230 = arith.constant 0 : i32
      %dma_wait3A_231 = tpu.memref_slice %arg2[%dma_wait3A_225, %dma_wait3A_229, %dma_wait3A_230] : memref<32x576x576xf32, #tpu.memory_space<any>> -> memref<1x576x576xf32, #tpu.memory_space<any>>
      %dma_wait3A_232 = tpu.memref_squeeze %dma_wait3A_231 : memref<1x576x576xf32, #tpu.memory_space<any>> -> memref<576x576xf32, #tpu.memory_space<any>>
      %dma_wait3A_233 = arith.constant 0 : i32
      %dma_wait3A_234 = arith.constant 0 : i32
      %dma_wait3A_235 = tpu.memref_slice %arg3[%dma_wait3A_224, %dma_wait3A_233, %dma_wait3A_234] : memref<4x576x576xf32, #tpu.memory_space<vmem>> -> memref<1x576x576xf32, #tpu.memory_space<vmem>>
      %dma_wait3A_236 = tpu.memref_squeeze %dma_wait3A_235 : memref<1x576x576xf32, #tpu.memory_space<vmem>> -> memref<576x576xf32, #tpu.memory_space<vmem>>
      tpu.wait_dma2 semaphore(%dma_wait3A_228 : memref<!tpu.dma_semaphore, #tpu.memory_space<semaphore_mem>>) src(%dma_wait3A_236 : memref<576x576xf32, #tpu.memory_space<vmem>>) dst(%dma_wait3A_232 : memref<576x576xf32, #tpu.memory_space<any>>)
    } else {
    }
    return
  }
  func.func @transform_0(%arg0: i32) -> (i32, i32, i32) {
    %c0_i32 = arith.constant 0 : i32
    %c0_i32_0 = arith.constant 0 : i32
    %c0_i32_1 = arith.constant 0 : i32
    return %arg0, %c0_i32, %c0_i32_0 : i32, i32, i32
  }
}

</mosaic_0001>

<sc_bundles>
// kernel: kernel.4.cloned.1.call-start
scs
__scs_entry_jumppad:
0x0: {  	(pc) =	sbr.rel $0x88, $3  }
0x1: {  	(tag) =	ssettag $0x0;
	lr =	simm.s32 $0x1  }
0x2: {  	[smem:$0x3F9F] =	sst lr;
	_ =	strace $0xD0000000  }
0x3: {  	_ = 	snop  }
0x4: {  	_ = 	snop  }
0x5: {  	_ = 	snop  }
0x6: {  	_ = 	snop  }
0x7: {  	_ = 	snop  }
__scs_overlays_trampoline_lowered:
0x8: {  	[smem:$0x3FAE] =	sst s0  }
0x9: {  	[smem:$0x3FAF] =	sst s1  }
0xa: {  	[smem:$0x3FB0] =	sst s2  }
0xb: {  	[smem:$0x3FB1] =	sst s3  }
0xc: {  	[smem:$0x3FB2] =	sst s4  }
0xd: {  	[smem:$0x3FB3] =	sst s5  }
0xe: {  	[smem:$0x3FB4] =	sst s6  }
0xf: {  	[smem:$0x3FB5] =	sst s7  }
0x10: {  	[smem:$0x3FB6] =	sst s8  }
0x11: {  	[smem:$0x3FB7] =	sst s9;
	s0 =	simm.s32 @!p0 $0x0  }
0x12: {  	s1 =	sld [smem:$0x3F9D];
	s0 =	simm.s32 @p0 $0x1  }
0x13: {  	[smem:$0x3FB8] =	sst s0;
	s0 =	simm.s32 @!p1 $0x0  }
0x14: {  	s2 =	sld [smem:$0x3F9C];
	s0 =	simm.s32 @p1 $0x1  }
0x15: {  	[smem:$0x3FB9] =	sst s0;
	s0 =	simm.s32 @!p2 $0x0  }
0x16: {  	s3 =	sld [smem:$0x3FDB];
	s0 =	simm.s32 @p2 $0x1  }
0x17: {  	s4 =	simm.s32 $0x1BF5;
	[smem:$0x3FBB] =	sst s0  }
0x18: {  	s0 =	sld [smem:$0x3F9E];
	_ =	swait.ge [sflag:s4], $0x0  }
0x19: {  	s7 =	sld [smem:$0x3F9F]  }
0x1a: {  	s8 =	sadd.s32 $0xFFFFE003, lr  }
0x1b: {  	s9 =	sadd.s32 $0xFFFFFEF7, lr;
	s5 =	simm.s32 $0xFFFFFFFF;
	p2 =	slt.u32 s8, $0xFFFFF086  }
0x1c: {  	p1 =	slt.u32 s9, $0xF7A;
	s5 =	simm.s32 @!p2 $0x0  }
0x1d: {  	s5 =	simm.s32 @p1 $0x1;
	p0 =	seq.s32 s7, s2  }
0x1e: {  	s7 =	smul.u32 @!p0 $0xF7A, s2;
	p2 =	seq.s32 @!p0 s5, $0x0  }
0x1f: {  	s9 =	smul.u32 $0xF7A, s1;
	s8 =	simm.s32 @!p0 $0x1BF5;
	p2 =	por !p2, p0  }
0x20: {  	[sflag:s8] =	ssyncset.s32 @!p0 $0xFFFFF086;
	s6 =	sadd.s32 @!p0 s3, s7;
	s7 =	simm.s32 @!p0 $0x108  }
0x21: {  	s3 =	sadd.s32 s3, s9;
	s6 =	sadd.s32 @!p0 $0x88, s6;
	s7 =	simm.s32 @p2 $0x1082  }
0x22: {  	[simem:s7], [sflag:s8] =	dma.local @!p0 [hbm:s6], $0xF7A  }
0x23: {  	s9 =	sor.u32 $0xD0000000, s2;
	s6 =	simm.s32 $0x108;
	_ =	swait.ge @!p0 [sflag:s8], $0x0  }
0x24: {  	s3 =	sadd.s32 $0x88, s3;
	s6 =	simm.s32 @!p1 $0x1082;
	[sflag:s4] =	ssyncset.s32 $0xFFFFF086  }
0x25: {  	[simem:s6], [sflag:s4] =	dma.local [hbm:s3], $0xF7A  }
0x26: {  	[smem:$0x3F9F] =	sst s1;
	(tag) =	ssettag s2;
	_ =	strace s9  }
0x27: {  	s1 =	sld [smem:$0x3FAF]  }
0x28: {  	s2 =	sld [smem:$0x3FB0]  }
0x29: {  	s4 =	sld [smem:$0x3FB2]  }
0x2a: {  	p0 =	seq.s32 s5, $0x0;
	s5 =	sld [smem:$0x3FB3]  }
0x2b: {  	s6 =	sld [smem:$0x3FB4]  }
0x2c: {  	s7 =	sld [smem:$0x3FB5]  }
0x2d: {  	s3 =	simm.s32 $0x108;
	s8 =	sld [smem:$0x3FB6]  }
0x2e: {  	s3 =	simm.s32 @!p0 $0x1082;
	s9 =	sld [smem:$0x3FB7]  }
0x2f: {  	lr =	sadd.s32 s0, s3;
	s0 =	sld [smem:$0x3FAE]  }
0x30: {  	s3 =	sld [smem:$0x3FB1]  }
0x31: {  	[smem:$0x3FBA] =	sst s10  }
0x32: {  	s10 =	sld [smem:$0x3FB8];
	_ =	sdelay $0x3  }
0x33: {  	p0 =	seq.s32 s10, $0x1;
	s10 =	sld [smem:$0x3FBA];
	_ =	sdelay $0x3  }
0x34: {  	[smem:$0x3FBA] =	sst s10  }
0x35: {  	s10 =	sld [smem:$0x3FB9];
	_ =	sdelay $0x3  }
0x36: {  	p1 =	seq.s32 s10, $0x1;
	s10 =	sld [smem:$0x3FBA];
	_ =	sdelay $0x3  }
0x37: {  	[smem:$0x3FBA] =	sst s10  }
0x38: {  	s10 =	sld [smem:$0x3FBB]  }
0x39: {  	_ = 	snop;
	(pc) =	sbr.ind lr, $3  }
0x3a: {  	_ = 	snop  }
0x3b: {  	_ = 	snop  }
0x3c: {  	p2 =	seq.s32 s10, $0x1;
	s10 =	sld [smem:$0x3FBA]  }
0x3d: {  	_ =	shalt  }
0x3e: {  	_ =	shalt  }
0x3f: {  	_ =	shalt  }
0x40: {  	_ =	shalt  }
0x41: {  	_ =	shalt  }
0x42: {  	_ =	shalt  }
0x43: {  	_ =	shalt  }
0x44: {  	_ =	shalt  }
0x45: {  	_ =	shalt  }
0x46: {  	_ =	shalt  }
0x47: {  	_ =	shalt  }
0x48: {  	_ =	shalt  }
0x49: {  	_ =	shalt  }
0x4a: {  	_ =	shalt  }
0x4b: {  	_ =	shalt  }
0x4c: {  	_ =	shalt  }
0x4d: {  	_ =	shalt  }
0x4e: {  	_ =	shalt  }
0x4f: {  	_ =	shalt  }
0x50: {  	_ =	shalt  }
0x51: {  	_ =	shalt  }
0x52: {  	_ =	shalt  }
0x53: {  	_ =	shalt  }
0x54: {  	_ =	shalt  }
0x55: {  	_ =	shalt  }
0x56: {  	_ =	shalt  }
0x57: {  	_ =	shalt  }
0x58: {  	_ =	shalt  }
0x59: {  	_ =	shalt  }
0x5a: {  	_ =	shalt  }
0x5b: {  	_ =	shalt  }
0x5c: {  	_ =	shalt  }
0x5d: {  	_ =	shalt  }
0x5e: {  	_ =	shalt  }
0x5f: {  	_ =	shalt  }
0x60: {  	_ =	shalt  }
0x61: {  	_ =	shalt  }
0x62: {  	_ =	shalt  }
0x63: {  	_ =	shalt  }
0x64: {  	_ =	shalt  }
0x65: {  	_ =	shalt  }
0x66: {  	_ =	shalt  }
0x67: {  	_ =	shalt  }
0x68: {  	_ =	shalt  }
0x69: {  	_ =	shalt  }
0x6a: {  	_ =	shalt  }
0x6b: {  	_ =	shalt  }
0x6c: {  	_ =	shalt  }
0x6d: {  	_ =	shalt  }
0x6e: {  	_ =	shalt  }
0x6f: {  	_ =	shalt  }
0x70: {  	_ =	shalt  }
0x71: {  	_ =	shalt  }
0x72: {  	_ =	shalt  }
0x73: {  	_ =	shalt  }
0x74: {  	_ =	shalt  }
0x75: {  	_ =	shalt  }
0x76: {  	_ =	shalt  }
0x77: {  	_ =	shalt  }
0x78: {  	_ =	shalt  }
0x79: {  	_ =	shalt  }
0x7a: {  	_ =	shalt  }
0x7b: {  	_ =	shalt  }
0x7c: {  	_ =	shalt  }
0x7d: {  	_ =	shalt  }
0x7e: {  	_ =	shalt  }
0x7f: {  	_ =	shalt  }
0x80: {  	_ =	shalt  }
0x81: {  	_ =	shalt  }
0x82: {  	_ =	shalt  }
0x83: {  	_ =	shalt  }
0x84: {  	_ =	shalt  }
0x85: {  	_ =	shalt  }
0x86: {  	_ =	shalt  }
0x87: {  	_ =	shalt  }
.Lfunc_end0:
.L_simem_size_0:
called_computation_lowered:
.L_overlay_start_0:
0x88: {  	s2 =	sld [smem:$0x3FD9]  }
0x89: {  	s3 =	sld [smem:$0x3FFE];
	_ =	sdelay $0x1  }
0x8a: {  	s1 =	srdreg.scid  }
0x8b: {  	s0 =	sand.u32 $0x1, s1  }
0x8c: {  	s17 =	sshll.u32 s0, $0xA;
	s2 =	sadd.s32 s3, s2  }
0x8d: {  	s2 =	sadd.s32 s2, s17  }
0x8e: {  	[smem:$0x3FC6] =	sst s2  }
0x8f: {  	_ = 	snop  }
0x90: {  	s2 =	sld [smem:$0x3FD0];
	(tm) =	ssettm $0x1  }
0x91: {  	s18 =	sld [smem:$0x3FFB];
	_ =	sdelay $0x3  }
0x92: {  	_ =	strace s18  }
0x93: {  	s3 =	sld [smem:$0x3FFC];
	_ =	sdelay $0x3  }
0x94: {  	_ =	strace s3  }
0x95: {  	s3 =	sld [smem:$0x3FFD];
	_ =	sdelay $0x3  }
0x96: {  	_ =	strace s3  }
0x97: {  	_ =	strace $0x8FFFFFFF  }
0x98: {  	s19 =	sld [smem:$0x3FDB];
	_ =	sdelay $0x1  }
0x99: {  	s4 =	simm.s32 $_scs_section_size  }
0x9a: {  	s5 =	simm.s32 $_size__tile_overlayer_lowered;
	s6 =	simm.s32 $_tile_overlayer_lowered  }
0x9b: {  	s22 =	simm.s32 $0x1BFF;
	s21 =	sshll.u32 s6, $0x1;
	s3 =	sadd.s32 s4, s19  }
0x9c: {  	s7 =	simm.s32 $0x0;
	s20 =	sshll.u32 s5, $0x1;
	s5 =	sadd.s32 s21, s3  }
0x9d: {  	[timem:s7], [sflag:s22] =	dma.local [hbm:s5], s20  }
0x9e: {  	_ =	swait.ge [sflag:s22], s20  }
0x9f: {  	s4 =	ssub.s32 $0x0, s20;
	[sflag:s22] =	ssyncset.done $0x0  }
0xa0: {  	[sflag:s22] =	ssyncadd.s32 s4;
	_ =	sdelay $0x1  }
0xa1: {  	s23 =	simm.s32 $0x1B8B  }
0xa2: {  	_ =	swait.ge [sflag:s23], $0x1  }
0xa3: {  	[sflag:s23] =	ssyncset.done $0x0  }
0xa4: {  	s25 =	simm.s32 $0x1B8E;
	s24 =	sld [smem:$0x3FFE];
	[sflag:s23] =	ssyncadd.s32 $0xFFFFFFFF  }
0xa5: {  	s26 =	simm.s32 $execute0_lowered;
	[smem:$0x3FD2] =	sst s25  }
0xa6: {  	s5 =	sshll.u32 s26, $0x1;
	_ =	strace $0x80000046;
	[dreg:$0x1] =	wrdreg $0xFFFFFFFF  }
0xa7: {  	s28 =	simm.s32 $_size_execute0_lowered;
	s3 =	sadd.s32 s3, s5;
	[dreg:$0x0] =	wrdreg $0x0  }
0xa8: {  	s5 =	sshll.u32 s28, $0x1;
	[dreg:$0x2] =	wrdreg s3  }
0xa9: {  	[dreg:$0x3] =	wrdreg s5  }
0xaa: {  	[dreg:$0x4] =	wrdreg $0xC0  }
0xab: {  	_ =	task [dreg:s7], $0x5FFFF  }
0xac: {  	[dreg:$0x1] =	wrdreg $0xFFFFFFFF  }
0xad: {  	[dreg:$0x0] =	wrdreg $0x60  }
0xae: {  	[dreg:$0x2] =	wrdreg s24  }
0xaf: {  	[dreg:$0x3] =	wrdreg s2  }
0xb0: {  	[dreg:$0x4] =	wrdreg $0x9  }
0xb1: {  	_ =	task.clear_ibuf [dreg:s7], $0x5FFFF;
	_ =	strace $0x90000046  }
0xb2: {  	s29 =	simm.s32 $0x9;
	_ =	strace $0x80000048  }
0xb3: {  	_ =	swait.ge [sflag:s29], $0x1  }
0xb4: {  	[sflag:s29] =	ssyncadd.s32 $0xFFFFFFFF  }
0xb5: {  	_ =	strace $0x90000048  }
0xb6: {  	_ =	sfence  }
0xb7: {  	s30 =	sld [smem:$0x0];
	_ =	sdelay $0x2  }
0xb8: {  	s31 =	sshll.u32 s1, $0xD;
	s1 =	sshrl.u32 s1, $0x2  }
0xb9: {  	s3 =	sand.u32 $0x4000, s31;
	s1 =	sadd.s32 s1, s30  }
0xba: {  	s0 =	sor.u32 s3, s0;
	s1 =	sshll.u32 s1, $0x11  }
0xbb: {  	s0 =	sor.u32 s1, s0  }
0xbc: {  	s0 =	sadd.s32 $0x8F2B, s0  }
0xbd: {  	[sflag:s0] =	ssyncadd.remote.s32 $0x1  }
0xbe: {  	_ =	sfence.sel $0xFFFF  }
0xbf: {  	[dreg:$0x0] =	wrdreg $0xFFFFFFFF;
	(pc) =	sbr.abs _section_cstart, $3  }
0xc0: {  	[dreg:$0x1] =	wrdreg $0xFFFFFFFF  }
0xc1: {  	_ =	task.clear_ibuf [dreg:s7], $0x2FFFF;
	_ =	strace $0x9FFFFFFF  }
0xc2: {  	(tm) =	ssettm $0x7FFFFFFF  }
0xc3: {  	_ =	shalt  }
tec
execute0_lowered:
.L_overlay_start_1:
0x0: {  	(tag) =	ssettag $0x1  }
0x1: {  	s4 =	rddreg [dreg:$0x0];
	s1 =	srdreg.scid  }
0x2: {  	s0 =	stileid.u32;
	s6 =	rddreg [dreg:$0x1]  }
0x3: {  	s2 =	simm.s32 $0x0;
	s11 =	simm.s32 $0xE0B0;
	s12 =	simm.s32 $0x2  }
0x4: {  	s3 =	sand.u32 $0x1, s1;
	s5 =	sshll.u32 s0, $0x1;
	s1 =	rddreg [dreg:$0x2]  }
0x5: {  	s13 =	simm.s32 $0x0;
	[smem:$0x7FF] =	sst s2;
	s5 =	sor.u32 s3, s5  }
0x6: {  	_ =	strace $0x80000047;
	s8 =	ssub.s32 $0x2, s3;
	s7 =	smul.u32 $0x116, s5  }
0x7: {  	s3 =	sadd.s32 $0x2800, s4;
	s9 =	sshrl.u32 s8, $0x1;
	s10 =	smul.u32 $0xD80, s5  }
0x8: {  	s8 =	ssub.s32 s8, s9;
	s9 =	simm.s32 $0x74B0;
	s7 =	sadd.s32 s7, s4  }
0x9: {  	s4 =	sadd.s32 $0x3600, s4;
	s6 =	sadd.s32 s6, s10;
	s10 =	simm.s32 $0x1  }
0xa: {  	s5 =	sadd.s32 $0x400, s7;
	s7 =	smax.u32 s8, $0x1;
	s8 =	simm.s32 $0x8B0  }
.LBB2_1:
0xb: {  	[tilespmem:s2], [sflag:$0x1] =	stream.linear.gather [hbm4b:s5+s2], $0x8B0, $0x38;
	[tilespmem:$0x14CB0] =	vst v63  }
0xc: {  	_ = 	snop  }
0xd: {  	[tilespmem:s8], [sflag:$0x1] =	stream.linear.gather [hbm4b:s3+s2], $0x6C00, $0x38;
	[tilespmem:$0x14CB0] =	vst v63  }
0xe: {  	_ = 	snop  }
0xf: {  	[tilespmem:s9], [sflag:$0x1] =	stream.linear.gather [hbm4b:s4+s2], $0x6C00, $0x38;
	[tilespmem:$0x14CB0] =	vst v63  }
0x10: {  	_ =	swait.ge [sflag:s10], $0x8B0  }
0x11: {  	[sflag:s10] =	ssyncset.done $0x0  }
0x12: {  	[sflag:s10] =	ssyncadd.s32 $0xFFFFF750  }
0x13: {  	_ =	swait.ge [sflag:s10], $0x6C00  }
0x14: {  	[sflag:s10] =	ssyncset.done $0x0  }
0x15: {  	[sflag:s10] =	ssyncadd.s32 $0xFFFF9400  }
0x16: {  	_ =	swait.ge [sflag:s10], $0x6C00  }
0x17: {  	s14 =	simm.s32 $0xE0F0;
	[sflag:s10] =	ssyncset.done $0x0  }
0x18: {  	s15 =	simm.s32 $0x74F0;
	s16 =	simm.s32 $0x0;
	[sflag:s10] =	ssyncadd.s32 $0xFFFF9400  }
.LBB2_2:
0x19: {  	v0 =	vld [tilespmem:s15+$0x30]  }
0x1a: {  	v1 =	vld [tilespmem:s15+$0xFFFFFFD0]  }
0x1b: {  	v2 =	vld [tilespmem:s15+$0xFFFFFFE0]  }
0x1c: {  	v3 =	vld [tilespmem:s15+$0xFFFFFFF0]  }
0x1d: {  	v4 =	vld [tilespmem:s15+$0x0]  }
0x1e: {  	v5 =	vld [tilespmem:s15+$0x10]  }
0x1f: {  	v6 =	vld [tilespmem:s15+$0x20]  }
0x20: {  	v7 =	vld [tilespmem:s15+$0xFFFFFFC0]  }
0x21: {  	v0 =	vld.idx.msk [tilespmem:v0+s8+$0x0], $0xffff  }
0x22: {  	v1 =	vld.idx.msk [tilespmem:v1+s8+$0x0], $0xffff  }
0x23: {  	v2 =	vld.idx.msk [tilespmem:v2+s8+$0x0], $0xffff  }
0x24: {  	v3 =	vld.idx.msk [tilespmem:v3+s8+$0x0], $0xffff  }
0x25: {  	v8 =	vld.idx.msk [tilespmem:v4+s8+$0x0], $0xffff  }
0x26: {  	v9 =	vld.idx.msk [tilespmem:v5+s8+$0x0], $0xffff  }
0x27: {  	v6 =	vld.idx.msk [tilespmem:v6+s8+$0x0], $0xffff  }
0x28: {  	v7 =	vld.idx.msk [tilespmem:v7+s8+$0x0], $0xffff  }
0x29: {  	v10 =	vld.idx.msk [tilespmem:v0+s2+$0x0], $0xffff  }
0x2a: {  	v11 =	vld.idx.msk [tilespmem:v1+s2+$0x0], $0xffff  }
0x2b: {  	v5 =	vld.idx.msk [tilespmem:v2+s2+$0x0], $0xffff  }
0x2c: {  	v4 =	vld.idx.msk [tilespmem:v3+s2+$0x0], $0xffff  }
0x2d: {  	v3 =	vld.idx.msk [tilespmem:v8+s2+$0x0], $0xffff  }
0x2e: {  	v1 =	vld.idx.msk [tilespmem:v9+s2+$0x0], $0xffff  }
0x2f: {  	v0 =	vld.idx.msk [tilespmem:v6+s2+$0x0], $0xffff;
	[tilespmem:s14+$0x30] =	vst v10  }
0x30: {  	s18 =	simm.s32 $0x0;
	s19 =	sadd.s32 $0x80, s15;
	s17 =	smov.u32 s14;
	v2 =	vld.idx.msk [tilespmem:v7+s2+$0x0], $0xffff;
	[tilespmem:s14+$0xFFFFFFD0] =	vst v11  }
.LBB2_3:
0x31: {  	v6 =	vld [tilespmem:s19+$0x30];
	s18 =	sadd.s32 $0x8, s18;
	[tilespmem:s17+$0xFFFFFFE0] =	vst v5  }
0x32: {  	v5 =	vld [tilespmem:s19+$0xFFFFFFD0];
	p0 =	slt.u32 s18, $0x40;
	[tilespmem:s17+$0xFFFFFFF0] =	vst v4  }
0x33: {  	v4 =	vld [tilespmem:s19+$0xFFFFFFE0];
	[tilespmem:s17+$0x0] =	vst v3  }
0x34: {  	v3 =	vld [tilespmem:s19+$0xFFFFFFF0];
	[tilespmem:s17+$0x10] =	vst v1  }
0x35: {  	v1 =	vld [tilespmem:s19+$0x0];
	[tilespmem:s17+$0x20] =	vst v0  }
0x36: {  	v0 =	vld [tilespmem:s19+$0x10];
	[tilespmem:s17+$0xFFFFFFC0] =	vst v2  }
0x37: {  	v2 =	vld [tilespmem:s19+$0x20]  }
0x38: {  	v7 =	vld [tilespmem:s19+$0xFFFFFFC0]  }
0x39: {  	v6 =	vld.idx.msk [tilespmem:v6+s8+$0x0], $0xffff  }
0x3a: {  	v5 =	vld.idx.msk [tilespmem:v5+s8+$0x0], $0xffff  }
0x3b: {  	v4 =	vld.idx.msk [tilespmem:v4+s8+$0x0], $0xffff  }
0x3c: {  	v3 =	vld.idx.msk [tilespmem:v3+s8+$0x0], $0xffff  }
0x3d: {  	v1 =	vld.idx.msk [tilespmem:v1+s8+$0x0], $0xffff  }
0x3e: {  	v0 =	vld.idx.msk [tilespmem:v0+s8+$0x0], $0xffff  }
0x3f: {  	v2 =	vld.idx.msk [tilespmem:v2+s8+$0x0], $0xffff  }
0x40: {  	v7 =	vld.idx.msk [tilespmem:v7+s8+$0x0], $0xffff  }
0x41: {  	v6 =	vld.idx.msk [tilespmem:v6+s2+$0x0], $0xffff  }
0x42: {  	v8 =	vld.idx.msk [tilespmem:v5+s2+$0x0], $0xffff  }
0x43: {  	v5 =	vld.idx.msk [tilespmem:v4+s2+$0x0], $0xffff  }
.Ltmp0:
0x44: {  	v4 =	vld.idx.msk [tilespmem:v3+s2+$0x0], $0xffff;
	(pc) =	sbr.rel @p0 .LBB2_3-.Ltmp0, $4  }
0x45: {  	v3 =	vld.idx.msk [tilespmem:v1+s2+$0x0], $0xffff  }
0x46: {  	s17 =	sadd.s32 $0x80, s17;
	v1 =	vld.idx.msk [tilespmem:v0+s2+$0x0], $0xffff  }
0x47: {  	v0 =	vld.idx.msk [tilespmem:v2+s2+$0x0], $0xffff;
	[tilespmem:s17+$0x30] =	vst v6  }
0x48: {  	s19 =	sadd.s32 $0x80, s19;
	v2 =	vld.idx.msk [tilespmem:v7+s2+$0x0], $0xffff;
	[tilespmem:s17+$0xFFFFFFD0] =	vst v8  }
0x49: {  	s16 =	sadd.s32 $0x1, s16  }
0x4a: {  	[tilespmem:s17+$0xFFFFFFE0] =	vst v5;
	p0 =	sne.s32 s16, $0x18  }
.Ltmp1:
0x4b: {  	[tilespmem:s17+$0xFFFFFFF0] =	vst v4;
	(pc) =	sbr.rel @p0 .LBB2_2-.Ltmp1, $4  }
0x4c: {  	[tilespmem:s17+$0x0] =	vst v3  }
0x4d: {  	[tilespmem:s17+$0x10] =	vst v1  }
0x4e: {  	[tilespmem:s17+$0x20] =	vst v0  }
0x4f: {  	s14 =	sadd.s32 $0x480, s14;
	s15 =	sadd.s32 $0x480, s15;
	[tilespmem:s17+$0xFFFFFFC0] =	vst v2  }
0x50: {  	s13 =	sadd.s32 $0x1, s13  }
0x51: {  	p0 =	sne.s32 s13, s7  }
.Ltmp2:
0x52: {  	_ = 	snop;
	(pc) =	sbr.rel @p0 .LBB2_1-.Ltmp2, $4  }
0x53: {  	[hbm4b:s6+s2] =	stream.linear.scatter [tilespmem:s11], [sflag:$0x2], $0x6C00, $0x38;
	[tilespmem:$0x14CB0] =	vst v63  }
0x54: {  	_ =	swait.ge [sflag:s12], $0x6C00  }
0x55: {  	[sflag:s12] =	ssyncset.done $0x0  }
0x56: {  	[sflag:s12] =	ssyncadd.s32 $0xFFFF9400  }
0x57: {  	_ =	sfence.sel $0x180000  }
0x58: {  	[bflag:$0x0] =	sbarrier.arrive $0xFFFF  }
0x59: {  	p0 =	sne.s32 s0, $0x0;
	_ =	strace $0x90000047  }
0x5a: {  	s0 =	sadd.s32 @!p0 $0x100000, s1;
	[bflag:$0x2] =	sbarrier.arrive $0xFFFF  }
0x5b: {  	[sflag:s0] =	ssyncadd.tile.s32 @!p0 $0x1;
	_ =	shalt  }
.Lfunc_end2:
_tile_overlayer_lowered:
.L_overlay_start_2:
0x5c: {  	(tag) =	ssettag $0x2  }
0x5d: {  	s0 =	rddreg [dreg:$0x0];
	s2 =	stileid.u32  }
0x5e: {  	s1 =	rddreg [dreg:$0x1];
	p0 =	sne.s32 s2, $0x0  }
0x5f: {  	s3 =	rddreg [dreg:$0x2];
	[bflag:$0x3] =	sbarrier.arrive $0xFFFF;
	s2 =	simm.s32 @!p0 $0x1C02  }
0x60: {  	[timem:s3], [sflag:s2] =	dma.local @!p0 [hbm:s0], s1  }
0x61: {  	s0 =	simm.s32 @!p0 $0x2  }
0x62: {  	_ =	swait.ge @!p0 [sflag:s0], s1  }
0x63: {  	s1 =	ssub.s32 @!p0 $0x0, s1;
	[sflag:s0] =	ssyncset.done @!p0 $0x0  }
0x64: {  	[sflag:s0] =	ssyncadd.s32 @!p0 s1  }
0x65: {  	[bflag:$0x3] =	sbarrier.arrive $0xFFFF  }
0x66: {  	_ =	shalt  }

</sc_bundles>
